<compile_context>
chip_gen: v7x
topology: tpu7x:2x2x1
jax: 0.10.2.dev20260603
libtpu: 0.0.44.dev20260713+nightly
codegen_flags: <defaults>
</compile_context>

<pallas_src>
import functools

import jax
import jax.numpy as jnp
from jax import lax
from jax.experimental import pallas as pl
from jax.experimental.pallas import tpu as pltpu
from jax.experimental.pallas import tpu_sc as plsc

_NUM_ENTITIES = 100000
_EMBEDDING_DIM = 64
_BATCH = 4096

_NUM_CORES = 2
_NUM_SUBCORES = 16
_NUM_WORKERS = _NUM_CORES * _NUM_SUBCORES
_COLS_PER_W = _EMBEDDING_DIM // _NUM_WORKERS
_LANES = 16
_CHUNKS = _BATCH // _LANES

_mesh = plsc.VectorSubcoreMesh(core_axis_name="c", subcore_axis_name="s")


@functools.partial(
    pl.kernel,
    mesh=_mesh,
    out_type=jax.ShapeDtypeStruct((_EMBEDDING_DIM, _BATCH), jnp.float32),
    scratch_types=[
        pltpu.VMEM((_BATCH,), jnp.int32),
        pltpu.VMEM((_NUM_ENTITIES,), jnp.float32),
        pltpu.VMEM((_BATCH,), jnp.float32),
        pltpu.VMEM((_BATCH,), jnp.float32),
        pltpu.SemaphoreType.DMA,
        pltpu.SemaphoreType.DMA,
    ],
    compiler_params=pltpu.CompilerParams(
        needs_layout_passes=False,
        disable_bounds_checks=True,
        disable_semaphore_checks=True,
    ),
)
def _gather_cols(table_t_hbm, idx_hbm, out_t_hbm, idx_v, col_v, out0_v,
                 out1_v, sem, sem_w):
    wid = lax.axis_index("s") * _NUM_CORES + lax.axis_index("c")
    c0 = wid * _COLS_PER_W

    col_copy = pltpu.make_async_copy(table_t_hbm.at[c0], col_v, sem)
    col_copy.start()
    pltpu.sync_copy(idx_hbm, idx_v)

    def _gather_into(out_v):
        def _body(k, carry):
            for q in range(4):
                off = k * (4 * _LANES) + q * _LANES
                ii = idx_v[pl.ds(off, _LANES)]
                out_v[pl.ds(off, _LANES)] = plsc.load_gather(col_v, [ii])
            return carry

        lax.fori_loop(0, _CHUNKS // 4, _body, 0)

    col_copy.wait()
    _gather_into(out0_v)
    pltpu.make_async_copy(table_t_hbm.at[c0 + 1], col_v, sem).start()
    out0_copy = pltpu.make_async_copy(out0_v, out_t_hbm.at[c0], sem_w)
    out0_copy.start()

    pltpu.make_async_copy(table_t_hbm.at[c0 + 1], col_v, sem).wait()
    _gather_into(out1_v)
    out0_copy.wait()
    pltpu.sync_copy(out1_v, out_t_hbm.at[c0 + 1])


def kernel(entities, entity_embeddings):
    out_t = _gather_cols(entity_embeddings.T, entities.astype(jnp.int32))
    return out_t.T

# --- scband reference (transcript-rebuilt; emitter-appended) ---
"""Pipeline reference for scband-base-module-50294067036520 (READ-ONLY COPY).

The authoritative reference and input builder live on the scoring server;
editing this copy changes nothing except your own understanding.
"""

import jax, jax.numpy as jnp
import numpy as np

NUM_ENTITIES = 100000
EMBEDDING_DIM = 64
BATCH = 4096

def setup_inputs(seed: int = 0) -> dict:
    key = jax.random.key(seed)
    k_idx, k_tab = jax.random.split(key)
    entities = jax.random.randint(k_idx, (BATCH,), 0, NUM_ENTITIES, dtype=jnp.int64 if jax.config.read('jax_enable_x64') else jnp.int32)
    entity_embeddings = jax.random.normal(k_tab, (NUM_ENTITIES, EMBEDDING_DIM), dtype=jnp.float32)
    return {"entities": entities, "entity_embeddings": entity_embeddings}

def reference(entities, entity_embeddings):
    # BaseModule._get_entity_embeddings: self.entity_embeddings(entities).view(-1, embedding_dim)
    emb = jnp.take(entity_embeddings, entities, axis=0)
    return emb.reshape(-1, EMBEDDING_DIM)

if __name__ == "__main__":
    import jax
    _d = setup_inputs()
    print(jax.jit(kernel)(*tuple(_d.values())))

</pallas_src>

<mosaic_0001>
#map = affine_map<(d0, d1) -> (0, 0)>
#map1 = affine_map<(d0, d1) -> (0)>
module attributes {stable_mosaic.version = 14 : i64} {
  func.func @_gather_cols(%arg0: i32, %arg1: i32, %arg2: memref<64x100000xf32, #tpu.memory_space<hbm>>, %arg3: memref<4096xi32, #tpu.memory_space<hbm>>, %arg4: memref<64x4096xf32, #tpu.memory_space<hbm>>, %arg5: memref<4096xi32, #tpu.memory_space<vmem>>, %arg6: memref<100000xf32, #tpu.memory_space<vmem>>, %arg7: memref<4096xf32, #tpu.memory_space<vmem>>, %arg8: memref<4096xf32, #tpu.memory_space<vmem>>, %arg9: memref<!tpu.dma_semaphore, #tpu.memory_space<semaphore_mem>>, %arg10: memref<!tpu.dma_semaphore, #tpu.memory_space<semaphore_mem>>) attributes {dimension_semantics = [#tpu.dimension_semantics<core_parallel>, #tpu.dimension_semantics<subcore_parallel>], iteration_bounds = array<i64: 2, 16>, scalar_prefetch = 0 : i64, scratch_operands = 6 : i64, tpu.core_type = #tpu.core_type<sc_vector_subcore>, window_params = [{transform_indices = #map}, {transform_indices = #map1}, {transform_indices = #map}]} {
    %mul3A = arith.constant 2 : i32
    %mul3A_0 = arith.muli %arg1, %mul3A : i32
    %add3A = arith.addi %mul3A_0, %arg0 : i32
    %mul3A_1 = arith.constant 2 : i32
    %mul3A_2 = arith.muli %add3A, %mul3A_1 : i32
    %dma_start3A = arith.constant 0 : i32
    %dma_start3A_3 = tpu.memref_slice %arg2[%mul3A_2, %dma_start3A] : memref<64x100000xf32, #tpu.memory_space<hbm>> -> memref<1x100000xf32, #tpu.memory_space<hbm>>
    %dma_start3A_4 = tpu.memref_squeeze %dma_start3A_3 : memref<1x100000xf32, #tpu.memory_space<hbm>> -> memref<100000xf32, #tpu.memory_space<hbm>>
    %dma_start3A_5 = arith.constant 0 : i32
    %dma_start3A_6 = tpu.memref_slice %arg2[%mul3A_2, %dma_start3A_5] : memref<64x100000xf32, #tpu.memory_space<hbm>> -> memref<1x100000xf32, #tpu.memory_space<hbm>>
    %dma_start3A_7 = tpu.memref_squeeze %dma_start3A_6 : memref<1x100000xf32, #tpu.memory_space<hbm>> -> memref<100000xf32, #tpu.memory_space<hbm>>
    tpu.enqueue_dma source(%dma_start3A_7 : memref<100000xf32, #tpu.memory_space<hbm>>) target(%arg6 : memref<100000xf32, #tpu.memory_space<vmem>>) target_semaphore(%arg9 : memref<!tpu.dma_semaphore, #tpu.memory_space<semaphore_mem>>)
    "tpu.region"() ({
      %run_scoped3A = tpu.sem_alloc : memref<!tpu.dma_semaphore, #tpu.memory_space<semaphore_mem>>
      tpu.enqueue_dma source(%arg3 : memref<4096xi32, #tpu.memory_space<hbm>>) target(%arg5 : memref<4096xi32, #tpu.memory_space<vmem>>) target_semaphore(%run_scoped3A : memref<!tpu.dma_semaphore, #tpu.memory_space<semaphore_mem>>)
      tpu.wait_dma2 semaphore(%run_scoped3A : memref<!tpu.dma_semaphore, #tpu.memory_space<semaphore_mem>>) src(%arg3 : memref<4096xi32, #tpu.memory_space<hbm>>) dst(%arg5 : memref<4096xi32, #tpu.memory_space<vmem>>)
      tpu.yield
    }) : () -> ()
    %dma_wait3A = arith.constant 0 : i32
    %dma_wait3A_8 = tpu.memref_slice %arg2[%mul3A_2, %dma_wait3A] : memref<64x100000xf32, #tpu.memory_space<hbm>> -> memref<1x100000xf32, #tpu.memory_space<hbm>>
    %dma_wait3A_9 = tpu.memref_squeeze %dma_wait3A_8 : memref<1x100000xf32, #tpu.memory_space<hbm>> -> memref<100000xf32, #tpu.memory_space<hbm>>
    %dma_wait3A_10 = arith.constant 0 : i32
    %dma_wait3A_11 = tpu.memref_slice %arg2[%mul3A_2, %dma_wait3A_10] : memref<64x100000xf32, #tpu.memory_space<hbm>> -> memref<1x100000xf32, #tpu.memory_space<hbm>>
    %dma_wait3A_12 = tpu.memref_squeeze %dma_wait3A_11 : memref<1x100000xf32, #tpu.memory_space<hbm>> -> memref<100000xf32, #tpu.memory_space<hbm>>
    tpu.wait_dma2 semaphore(%arg9 : memref<!tpu.dma_semaphore, #tpu.memory_space<semaphore_mem>>) src(%dma_wait3A_12 : memref<100000xf32, #tpu.memory_space<hbm>>) dst(%arg6 : memref<100000xf32, #tpu.memory_space<vmem>>)
    %scan3A = arith.constant 0 : i32
    %scan3A_13 = arith.constant 0 : i32
    %scan3A_14 = arith.constant 64 : i32
    %scan3A_15 = arith.addi %scan3A_13, %scan3A_14 : i32
    %scan3A_16 = arith.constant 1 : i32
    scf.for %scan3A_54 = %scan3A_13 to %scan3A_15 step %scan3A_16  : i32 {
      %mul3A_55 = arith.constant 64 : i32
      %mul3A_56 = arith.muli %scan3A_54, %mul3A_55 : i32
      %add3A_57 = arith.constant 0 : i32
      %add3A_58 = arith.addi %mul3A_56, %add3A_57 : i32
      %get3A = arith.index_cast %add3A_58 : i32 to index
      %get3A_59 = tpu.vector_load %arg5[%get3A] {strides = array<i32>} : memref<4096xi32, #tpu.memory_space<vmem>>, vector<16xi32>,
      %gather3A = tpu.vector_load_idx %arg6[%get3A_59] : memref<100000xf32, #tpu.memory_space<vmem>>[vector<16xi32>], vector<16xf32>,
      %swap3A = arith.index_cast %add3A_58 : i32 to index
      %swap3A_60 = tpu.vector_load %arg7[%swap3A] {strides = array<i32>} : memref<4096xf32, #tpu.memory_space<vmem>>, vector<16xf32>,
      tpu.vector_store %arg7[%swap3A], %gather3A {strides = array<i32>} : memref<4096xf32, #tpu.memory_space<vmem>>, vector<16xf32>,
      %mul3A_61 = arith.constant 64 : i32
      %mul3A_62 = arith.muli %scan3A_54, %mul3A_61 : i32
      %add3A_63 = arith.constant 16 : i32
      %add3A_64 = arith.addi %mul3A_62, %add3A_63 : i32
      %get3A_65 = arith.index_cast %add3A_64 : i32 to index
      %get3A_66 = tpu.vector_load %arg5[%get3A_65] {strides = array<i32>} : memref<4096xi32, #tpu.memory_space<vmem>>, vector<16xi32>,
      %gather3A_67 = tpu.vector_load_idx %arg6[%get3A_66] : memref<100000xf32, #tpu.memory_space<vmem>>[vector<16xi32>], vector<16xf32>,
      %swap3A_68 = arith.index_cast %add3A_64 : i32 to index
      %swap3A_69 = tpu.vector_load %arg7[%swap3A_68] {strides = array<i32>} : memref<4096xf32, #tpu.memory_space<vmem>>, vector<16xf32>,
      tpu.vector_store %arg7[%swap3A_68], %gather3A_67 {strides = array<i32>} : memref<4096xf32, #tpu.memory_space<vmem>>, vector<16xf32>,
      %mul3A_70 = arith.constant 64 : i32
      %mul3A_71 = arith.muli %scan3A_54, %mul3A_70 : i32
      %add3A_72 = arith.constant 32 : i32
      %add3A_73 = arith.addi %mul3A_71, %add3A_72 : i32
      %get3A_74 = arith.index_cast %add3A_73 : i32 to index
      %get3A_75 = tpu.vector_load %arg5[%get3A_74] {strides = array<i32>} : memref<4096xi32, #tpu.memory_space<vmem>>, vector<16xi32>,
      %gather3A_76 = tpu.vector_load_idx %arg6[%get3A_75] : memref<100000xf32, #tpu.memory_space<vmem>>[vector<16xi32>], vector<16xf32>,
      %swap3A_77 = arith.index_cast %add3A_73 : i32 to index
      %swap3A_78 = tpu.vector_load %arg7[%swap3A_77] {strides = array<i32>} : memref<4096xf32, #tpu.memory_space<vmem>>, vector<16xf32>,
      tpu.vector_store %arg7[%swap3A_77], %gather3A_76 {strides = array<i32>} : memref<4096xf32, #tpu.memory_space<vmem>>, vector<16xf32>,
      %mul3A_79 = arith.constant 64 : i32
      %mul3A_80 = arith.muli %scan3A_54, %mul3A_79 : i32
      %add3A_81 = arith.constant 48 : i32
      %add3A_82 = arith.addi %mul3A_80, %add3A_81 : i32
      %get3A_83 = arith.index_cast %add3A_82 : i32 to index
      %get3A_84 = tpu.vector_load %arg5[%get3A_83] {strides = array<i32>} : memref<4096xi32, #tpu.memory_space<vmem>>, vector<16xi32>,
      %gather3A_85 = tpu.vector_load_idx %arg6[%get3A_84] : memref<100000xf32, #tpu.memory_space<vmem>>[vector<16xi32>], vector<16xf32>,
      %swap3A_86 = arith.index_cast %add3A_82 : i32 to index
      %swap3A_87 = tpu.vector_load %arg7[%swap3A_86] {strides = array<i32>} : memref<4096xf32, #tpu.memory_space<vmem>>, vector<16xf32>,
      tpu.vector_store %arg7[%swap3A_86], %gather3A_85 {strides = array<i32>} : memref<4096xf32, #tpu.memory_space<vmem>>, vector<16xf32>,
    }
    %scan3A_17 = arith.constant 64 : i32
    %add3A_18 = arith.constant 1 : i32
    %add3A_19 = arith.addi %mul3A_2, %add3A_18 : i32
    %dma_start3A_20 = arith.constant 0 : i32
    %dma_start3A_21 = tpu.memref_slice %arg2[%add3A_19, %dma_start3A_20] : memref<64x100000xf32, #tpu.memory_space<hbm>> -> memref<1x100000xf32, #tpu.memory_space<hbm>>
    %dma_start3A_22 = tpu.memref_squeeze %dma_start3A_21 : memref<1x100000xf32, #tpu.memory_space<hbm>> -> memref<100000xf32, #tpu.memory_space<hbm>>
    %dma_start3A_23 = arith.constant 0 : i32
    %dma_start3A_24 = tpu.memref_slice %arg2[%add3A_19, %dma_start3A_23] : memref<64x100000xf32, #tpu.memory_space<hbm>> -> memref<1x100000xf32, #tpu.memory_space<hbm>>
    %dma_start3A_25 = tpu.memref_squeeze %dma_start3A_24 : memref<1x100000xf32, #tpu.memory_space<hbm>> -> memref<100000xf32, #tpu.memory_space<hbm>>
    tpu.enqueue_dma source(%dma_start3A_25 : memref<100000xf32, #tpu.memory_space<hbm>>) target(%arg6 : memref<100000xf32, #tpu.memory_space<vmem>>) target_semaphore(%arg9 : memref<!tpu.dma_semaphore, #tpu.memory_space<semaphore_mem>>)
    %dma_start3A_26 = arith.constant 0 : i32
    %dma_start3A_27 = tpu.memref_slice %arg4[%mul3A_2, %dma_start3A_26] : memref<64x4096xf32, #tpu.memory_space<hbm>> -> memref<1x4096xf32, #tpu.memory_space<hbm>>
    %dma_start3A_28 = tpu.memref_squeeze %dma_start3A_27 : memref<1x4096xf32, #tpu.memory_space<hbm>> -> memref<4096xf32, #tpu.memory_space<hbm>>
    %dma_start3A_29 = arith.constant 0 : i32
    %dma_start3A_30 = tpu.memref_slice %arg4[%mul3A_2, %dma_start3A_29] : memref<64x4096xf32, #tpu.memory_space<hbm>> -> memref<1x4096xf32, #tpu.memory_space<hbm>>
    %dma_start3A_31 = tpu.memref_squeeze %dma_start3A_30 : memref<1x4096xf32, #tpu.memory_space<hbm>> -> memref<4096xf32, #tpu.memory_space<hbm>>
    tpu.enqueue_dma source(%arg7 : memref<4096xf32, #tpu.memory_space<vmem>>) target(%dma_start3A_31 : memref<4096xf32, #tpu.memory_space<hbm>>) target_semaphore(%arg10 : memref<!tpu.dma_semaphore, #tpu.memory_space<semaphore_mem>>)
    %add3A_32 = arith.constant 1 : i32
    %add3A_33 = arith.addi %mul3A_2, %add3A_32 : i32
    %dma_wait3A_34 = arith.constant 0 : i32
    %dma_wait3A_35 = tpu.memref_slice %arg2[%add3A_33, %dma_wait3A_34] : memref<64x100000xf32, #tpu.memory_space<hbm>> -> memref<1x100000xf32, #tpu.memory_space<hbm>>
    %dma_wait3A_36 = tpu.memref_squeeze %dma_wait3A_35 : memref<1x100000xf32, #tpu.memory_space<hbm>> -> memref<100000xf32, #tpu.memory_space<hbm>>
    %dma_wait3A_37 = arith.constant 0 : i32
    %dma_wait3A_38 = tpu.memref_slice %arg2[%add3A_33, %dma_wait3A_37] : memref<64x100000xf32, #tpu.memory_space<hbm>> -> memref<1x100000xf32, #tpu.memory_space<hbm>>
    %dma_wait3A_39 = tpu.memref_squeeze %dma_wait3A_38 : memref<1x100000xf32, #tpu.memory_space<hbm>> -> memref<100000xf32, #tpu.memory_space<hbm>>
    tpu.wait_dma2 semaphore(%arg9 : memref<!tpu.dma_semaphore, #tpu.memory_space<semaphore_mem>>) src(%dma_wait3A_39 : memref<100000xf32, #tpu.memory_space<hbm>>) dst(%arg6 : memref<100000xf32, #tpu.memory_space<vmem>>)
    %scan3A_40 = arith.constant 0 : i32
    %scan3A_41 = arith.constant 0 : i32
    %scan3A_42 = arith.constant 64 : i32
    %scan3A_43 = arith.addi %scan3A_41, %scan3A_42 : i32
    %scan3A_44 = arith.constant 1 : i32
    scf.for %scan3A_54 = %scan3A_41 to %scan3A_43 step %scan3A_44  : i32 {
      %mul3A_55 = arith.constant 64 : i32
      %mul3A_56 = arith.muli %scan3A_54, %mul3A_55 : i32
      %add3A_57 = arith.constant 0 : i32
      %add3A_58 = arith.addi %mul3A_56, %add3A_57 : i32
      %get3A = arith.index_cast %add3A_58 : i32 to index
      %get3A_59 = tpu.vector_load %arg5[%get3A] {strides = array<i32>} : memref<4096xi32, #tpu.memory_space<vmem>>, vector<16xi32>,
      %gather3A = tpu.vector_load_idx %arg6[%get3A_59] : memref<100000xf32, #tpu.memory_space<vmem>>[vector<16xi32>], vector<16xf32>,
      %swap3A = arith.index_cast %add3A_58 : i32 to index
      %swap3A_60 = tpu.vector_load %arg8[%swap3A] {strides = array<i32>} : memref<4096xf32, #tpu.memory_space<vmem>>, vector<16xf32>,
      tpu.vector_store %arg8[%swap3A], %gather3A {strides = array<i32>} : memref<4096xf32, #tpu.memory_space<vmem>>, vector<16xf32>,
      %mul3A_61 = arith.constant 64 : i32
      %mul3A_62 = arith.muli %scan3A_54, %mul3A_61 : i32
      %add3A_63 = arith.constant 16 : i32
      %add3A_64 = arith.addi %mul3A_62, %add3A_63 : i32
      %get3A_65 = arith.index_cast %add3A_64 : i32 to index
      %get3A_66 = tpu.vector_load %arg5[%get3A_65] {strides = array<i32>} : memref<4096xi32, #tpu.memory_space<vmem>>, vector<16xi32>,
      %gather3A_67 = tpu.vector_load_idx %arg6[%get3A_66] : memref<100000xf32, #tpu.memory_space<vmem>>[vector<16xi32>], vector<16xf32>,
      %swap3A_68 = arith.index_cast %add3A_64 : i32 to index
      %swap3A_69 = tpu.vector_load %arg8[%swap3A_68] {strides = array<i32>} : memref<4096xf32, #tpu.memory_space<vmem>>, vector<16xf32>,
      tpu.vector_store %arg8[%swap3A_68], %gather3A_67 {strides = array<i32>} : memref<4096xf32, #tpu.memory_space<vmem>>, vector<16xf32>,
      %mul3A_70 = arith.constant 64 : i32
      %mul3A_71 = arith.muli %scan3A_54, %mul3A_70 : i32
      %add3A_72 = arith.constant 32 : i32
      %add3A_73 = arith.addi %mul3A_71, %add3A_72 : i32
      %get3A_74 = arith.index_cast %add3A_73 : i32 to index
      %get3A_75 = tpu.vector_load %arg5[%get3A_74] {strides = array<i32>} : memref<4096xi32, #tpu.memory_space<vmem>>, vector<16xi32>,
      %gather3A_76 = tpu.vector_load_idx %arg6[%get3A_75] : memref<100000xf32, #tpu.memory_space<vmem>>[vector<16xi32>], vector<16xf32>,
      %swap3A_77 = arith.index_cast %add3A_73 : i32 to index
      %swap3A_78 = tpu.vector_load %arg8[%swap3A_77] {strides = array<i32>} : memref<4096xf32, #tpu.memory_space<vmem>>, vector<16xf32>,
      tpu.vector_store %arg8[%swap3A_77], %gather3A_76 {strides = array<i32>} : memref<4096xf32, #tpu.memory_space<vmem>>, vector<16xf32>,
      %mul3A_79 = arith.constant 64 : i32
      %mul3A_80 = arith.muli %scan3A_54, %mul3A_79 : i32
      %add3A_81 = arith.constant 48 : i32
      %add3A_82 = arith.addi %mul3A_80, %add3A_81 : i32
      %get3A_83 = arith.index_cast %add3A_82 : i32 to index
      %get3A_84 = tpu.vector_load %arg5[%get3A_83] {strides = array<i32>} : memref<4096xi32, #tpu.memory_space<vmem>>, vector<16xi32>,
      %gather3A_85 = tpu.vector_load_idx %arg6[%get3A_84] : memref<100000xf32, #tpu.memory_space<vmem>>[vector<16xi32>], vector<16xf32>,
      %swap3A_86 = arith.index_cast %add3A_82 : i32 to index
      %swap3A_87 = tpu.vector_load %arg8[%swap3A_86] {strides = array<i32>} : memref<4096xf32, #tpu.memory_space<vmem>>, vector<16xf32>,
      tpu.vector_store %arg8[%swap3A_86], %gather3A_85 {strides = array<i32>} : memref<4096xf32, #tpu.memory_space<vmem>>, vector<16xf32>,
    }
    %scan3A_45 = arith.constant 64 : i32
    %dma_wait3A_46 = arith.constant 0 : i32
    %dma_wait3A_47 = tpu.memref_slice %arg4[%mul3A_2, %dma_wait3A_46] : memref<64x4096xf32, #tpu.memory_space<hbm>> -> memref<1x4096xf32, #tpu.memory_space<hbm>>
    %dma_wait3A_48 = tpu.memref_squeeze %dma_wait3A_47 : memref<1x4096xf32, #tpu.memory_space<hbm>> -> memref<4096xf32, #tpu.memory_space<hbm>>
    %dma_wait3A_49 = arith.constant 0 : i32
    %dma_wait3A_50 = tpu.memref_slice %arg4[%mul3A_2, %dma_wait3A_49] : memref<64x4096xf32, #tpu.memory_space<hbm>> -> memref<1x4096xf32, #tpu.memory_space<hbm>>
    %dma_wait3A_51 = tpu.memref_squeeze %dma_wait3A_50 : memref<1x4096xf32, #tpu.memory_space<hbm>> -> memref<4096xf32, #tpu.memory_space<hbm>>
    tpu.wait_dma2 semaphore(%arg10 : memref<!tpu.dma_semaphore, #tpu.memory_space<semaphore_mem>>) src(%arg7 : memref<4096xf32, #tpu.memory_space<vmem>>) dst(%dma_wait3A_51 : memref<4096xf32, #tpu.memory_space<hbm>>)
    %add3A_52 = arith.constant 1 : i32
    %add3A_53 = arith.addi %mul3A_2, %add3A_52 : i32
    "tpu.region"() ({
      %run_scoped3A = tpu.sem_alloc : memref<!tpu.dma_semaphore, #tpu.memory_space<semaphore_mem>>
      %dma_start3A_54 = arith.constant 0 : i32
      %dma_start3A_55 = tpu.memref_slice %arg4[%add3A_53, %dma_start3A_54] : memref<64x4096xf32, #tpu.memory_space<hbm>> -> memref<1x4096xf32, #tpu.memory_space<hbm>>
      %dma_start3A_56 = tpu.memref_squeeze %dma_start3A_55 : memref<1x4096xf32, #tpu.memory_space<hbm>> -> memref<4096xf32, #tpu.memory_space<hbm>>
      %dma_start3A_57 = arith.constant 0 : i32
      %dma_start3A_58 = tpu.memref_slice %arg4[%add3A_53, %dma_start3A_57] : memref<64x4096xf32, #tpu.memory_space<hbm>> -> memref<1x4096xf32, #tpu.memory_space<hbm>>
      %dma_start3A_59 = tpu.memref_squeeze %dma_start3A_58 : memref<1x4096xf32, #tpu.memory_space<hbm>> -> memref<4096xf32, #tpu.memory_space<hbm>>
      tpu.enqueue_dma source(%arg8 : memref<4096xf32, #tpu.memory_space<vmem>>) target(%dma_start3A_59 : memref<4096xf32, #tpu.memory_space<hbm>>) target_semaphore(%run_scoped3A : memref<!tpu.dma_semaphore, #tpu.memory_space<semaphore_mem>>)
      %dma_wait3A_60 = arith.constant 0 : i32
      %dma_wait3A_61 = tpu.memref_slice %arg4[%add3A_53, %dma_wait3A_60] : memref<64x4096xf32, #tpu.memory_space<hbm>> -> memref<1x4096xf32, #tpu.memory_space<hbm>>
      %dma_wait3A_62 = tpu.memref_squeeze %dma_wait3A_61 : memref<1x4096xf32, #tpu.memory_space<hbm>> -> memref<4096xf32, #tpu.memory_space<hbm>>
      %dma_wait3A_63 = arith.constant 0 : i32
      %dma_wait3A_64 = tpu.memref_slice %arg4[%add3A_53, %dma_wait3A_63] : memref<64x4096xf32, #tpu.memory_space<hbm>> -> memref<1x4096xf32, #tpu.memory_space<hbm>>
      %dma_wait3A_65 = tpu.memref_squeeze %dma_wait3A_64 : memref<1x4096xf32, #tpu.memory_space<hbm>> -> memref<4096xf32, #tpu.memory_space<hbm>>
      tpu.wait_dma2 semaphore(%run_scoped3A : memref<!tpu.dma_semaphore, #tpu.memory_space<semaphore_mem>>) src(%arg8 : memref<4096xf32, #tpu.memory_space<vmem>>) dst(%dma_wait3A_65 : memref<4096xf32, #tpu.memory_space<hbm>>)
      tpu.yield
    }) : () -> ()
    return
  }
}

</mosaic_0001>

<sc_bundles>
// kernel: kernel.3.cloned.1.call-start
scs
__scs_entry_jumppad:
0x0: {  	(pc) =	sbr.rel $0x88, $3  }
0x1: {  	(tag) =	ssettag $0x0;
	lr =	simm.s32 $0x1  }
0x2: {  	[smem:$0x3F9F] =	sst lr;
	_ =	strace $0xD0000000  }
0x3: {  	_ = 	snop  }
0x4: {  	_ = 	snop  }
0x5: {  	_ = 	snop  }
0x6: {  	_ = 	snop  }
0x7: {  	_ = 	snop  }
__scs_overlays_trampoline_lowered:
0x8: {  	[smem:$0x3FAE] =	sst s0  }
0x9: {  	[smem:$0x3FAF] =	sst s1  }
0xa: {  	[smem:$0x3FB0] =	sst s2  }
0xb: {  	[smem:$0x3FB1] =	sst s3  }
0xc: {  	[smem:$0x3FB2] =	sst s4  }
0xd: {  	[smem:$0x3FB3] =	sst s5  }
0xe: {  	[smem:$0x3FB4] =	sst s6  }
0xf: {  	[smem:$0x3FB5] =	sst s7  }
0x10: {  	[smem:$0x3FB6] =	sst s8  }
0x11: {  	[smem:$0x3FB7] =	sst s9;
	s0 =	simm.s32 @!p0 $0x0  }
0x12: {  	s1 =	sld [smem:$0x3F9D];
	s0 =	simm.s32 @p0 $0x1  }
0x13: {  	[smem:$0x3FB8] =	sst s0;
	s0 =	simm.s32 @!p1 $0x0  }
0x14: {  	s2 =	sld [smem:$0x3F9C];
	s0 =	simm.s32 @p1 $0x1  }
0x15: {  	[smem:$0x3FB9] =	sst s0;
	s0 =	simm.s32 @!p2 $0x0  }
0x16: {  	s3 =	sld [smem:$0x3FDB];
	s0 =	simm.s32 @p2 $0x1  }
0x17: {  	s4 =	simm.s32 $0x1BF5;
	[smem:$0x3FBB] =	sst s0  }
0x18: {  	s0 =	sld [smem:$0x3F9E];
	_ =	swait.ge [sflag:s4], $0x0  }
0x19: {  	s7 =	sld [smem:$0x3F9F]  }
0x1a: {  	s8 =	sadd.s32 $0xFFFFE003, lr  }
0x1b: {  	s9 =	sadd.s32 $0xFFFFFEF7, lr;
	s5 =	simm.s32 $0xFFFFFFFF;
	p2 =	slt.u32 s8, $0xFFFFF086  }
0x1c: {  	p1 =	slt.u32 s9, $0xF7A;
	s5 =	simm.s32 @!p2 $0x0  }
0x1d: {  	s5 =	simm.s32 @p1 $0x1;
	p0 =	seq.s32 s7, s2  }
0x1e: {  	s7 =	smul.u32 @!p0 $0xF7A, s2;
	p2 =	seq.s32 @!p0 s5, $0x0  }
0x1f: {  	s9 =	smul.u32 $0xF7A, s1;
	s8 =	simm.s32 @!p0 $0x1BF5;
	p2 =	por !p2, p0  }
0x20: {  	[sflag:s8] =	ssyncset.s32 @!p0 $0xFFFFF086;
	s6 =	sadd.s32 @!p0 s3, s7;
	s7 =	simm.s32 @!p0 $0x108  }
0x21: {  	s3 =	sadd.s32 s3, s9;
	s6 =	sadd.s32 @!p0 $0x88, s6;
	s7 =	simm.s32 @p2 $0x1082  }
0x22: {  	[simem:s7], [sflag:s8] =	dma.local @!p0 [hbm:s6], $0xF7A  }
0x23: {  	s9 =	sor.u32 $0xD0000000, s2;
	s6 =	simm.s32 $0x108;
	_ =	swait.ge @!p0 [sflag:s8], $0x0  }
0x24: {  	s3 =	sadd.s32 $0x88, s3;
	s6 =	simm.s32 @!p1 $0x1082;
	[sflag:s4] =	ssyncset.s32 $0xFFFFF086  }
0x25: {  	[simem:s6], [sflag:s4] =	dma.local [hbm:s3], $0xF7A  }
0x26: {  	[smem:$0x3F9F] =	sst s1;
	(tag) =	ssettag s2;
	_ =	strace s9  }
0x27: {  	s1 =	sld [smem:$0x3FAF]  }
0x28: {  	s2 =	sld [smem:$0x3FB0]  }
0x29: {  	s4 =	sld [smem:$0x3FB2]  }
0x2a: {  	p0 =	seq.s32 s5, $0x0;
	s5 =	sld [smem:$0x3FB3]  }
0x2b: {  	s6 =	sld [smem:$0x3FB4]  }
0x2c: {  	s7 =	sld [smem:$0x3FB5]  }
0x2d: {  	s3 =	simm.s32 $0x108;
	s8 =	sld [smem:$0x3FB6]  }
0x2e: {  	s3 =	simm.s32 @!p0 $0x1082;
	s9 =	sld [smem:$0x3FB7]  }
0x2f: {  	lr =	sadd.s32 s0, s3;
	s0 =	sld [smem:$0x3FAE]  }
0x30: {  	s3 =	sld [smem:$0x3FB1]  }
0x31: {  	[smem:$0x3FBA] =	sst s10  }
0x32: {  	s10 =	sld [smem:$0x3FB8];
	_ =	sdelay $0x3  }
0x33: {  	p0 =	seq.s32 s10, $0x1;
	s10 =	sld [smem:$0x3FBA];
	_ =	sdelay $0x3  }
0x34: {  	[smem:$0x3FBA] =	sst s10  }
0x35: {  	s10 =	sld [smem:$0x3FB9];
	_ =	sdelay $0x3  }
0x36: {  	p1 =	seq.s32 s10, $0x1;
	s10 =	sld [smem:$0x3FBA];
	_ =	sdelay $0x3  }
0x37: {  	[smem:$0x3FBA] =	sst s10  }
0x38: {  	s10 =	sld [smem:$0x3FBB]  }
0x39: {  	_ = 	snop;
	(pc) =	sbr.ind lr, $3  }
0x3a: {  	_ = 	snop  }
0x3b: {  	_ = 	snop  }
0x3c: {  	p2 =	seq.s32 s10, $0x1;
	s10 =	sld [smem:$0x3FBA]  }
0x3d: {  	_ =	shalt  }
0x3e: {  	_ =	shalt  }
0x3f: {  	_ =	shalt  }
0x40: {  	_ =	shalt  }
0x41: {  	_ =	shalt  }
0x42: {  	_ =	shalt  }
0x43: {  	_ =	shalt  }
0x44: {  	_ =	shalt  }
0x45: {  	_ =	shalt  }
0x46: {  	_ =	shalt  }
0x47: {  	_ =	shalt  }
0x48: {  	_ =	shalt  }
0x49: {  	_ =	shalt  }
0x4a: {  	_ =	shalt  }
0x4b: {  	_ =	shalt  }
0x4c: {  	_ =	shalt  }
0x4d: {  	_ =	shalt  }
0x4e: {  	_ =	shalt  }
0x4f: {  	_ =	shalt  }
0x50: {  	_ =	shalt  }
0x51: {  	_ =	shalt  }
0x52: {  	_ =	shalt  }
0x53: {  	_ =	shalt  }
0x54: {  	_ =	shalt  }
0x55: {  	_ =	shalt  }
0x56: {  	_ =	shalt  }
0x57: {  	_ =	shalt  }
0x58: {  	_ =	shalt  }
0x59: {  	_ =	shalt  }
0x5a: {  	_ =	shalt  }
0x5b: {  	_ =	shalt  }
0x5c: {  	_ =	shalt  }
0x5d: {  	_ =	shalt  }
0x5e: {  	_ =	shalt  }
0x5f: {  	_ =	shalt  }
0x60: {  	_ =	shalt  }
0x61: {  	_ =	shalt  }
0x62: {  	_ =	shalt  }
0x63: {  	_ =	shalt  }
0x64: {  	_ =	shalt  }
0x65: {  	_ =	shalt  }
0x66: {  	_ =	shalt  }
0x67: {  	_ =	shalt  }
0x68: {  	_ =	shalt  }
0x69: {  	_ =	shalt  }
0x6a: {  	_ =	shalt  }
0x6b: {  	_ =	shalt  }
0x6c: {  	_ =	shalt  }
0x6d: {  	_ =	shalt  }
0x6e: {  	_ =	shalt  }
0x6f: {  	_ =	shalt  }
0x70: {  	_ =	shalt  }
0x71: {  	_ =	shalt  }
0x72: {  	_ =	shalt  }
0x73: {  	_ =	shalt  }
0x74: {  	_ =	shalt  }
0x75: {  	_ =	shalt  }
0x76: {  	_ =	shalt  }
0x77: {  	_ =	shalt  }
0x78: {  	_ =	shalt  }
0x79: {  	_ =	shalt  }
0x7a: {  	_ =	shalt  }
0x7b: {  	_ =	shalt  }
0x7c: {  	_ =	shalt  }
0x7d: {  	_ =	shalt  }
0x7e: {  	_ =	shalt  }
0x7f: {  	_ =	shalt  }
0x80: {  	_ =	shalt  }
0x81: {  	_ =	shalt  }
0x82: {  	_ =	shalt  }
0x83: {  	_ =	shalt  }
0x84: {  	_ =	shalt  }
0x85: {  	_ =	shalt  }
0x86: {  	_ =	shalt  }
0x87: {  	_ =	shalt  }
.Lfunc_end0:
.L_simem_size_0:
called_computation_lowered:
.L_overlay_start_0:
0x88: {  	s2 =	sld [smem:$0x3FD9]  }
0x89: {  	s3 =	sld [smem:$0x3FFE];
	_ =	sdelay $0x1  }
0x8a: {  	s1 =	srdreg.scid  }
0x8b: {  	s0 =	sand.u32 $0x1, s1  }
0x8c: {  	s18 =	sshll.u32 s0, $0xA;
	s2 =	sadd.s32 s3, s2  }
0x8d: {  	s2 =	sadd.s32 s2, s18  }
0x8e: {  	[smem:$0x3FC6] =	sst s2  }
0x8f: {  	_ = 	snop  }
0x90: {  	s2 =	sld [smem:$0x3FC9]  }
0x91: {  	s19 =	sld [smem:$0x3FC8]  }
0x92: {  	s4 =	sld [smem:$0x3FD0];
	(tm) =	ssettm $0x1  }
0x93: {  	s5 =	sld [smem:$0x3FFB];
	_ =	sdelay $0x3  }
0x94: {  	_ =	strace s5  }
0x95: {  	s5 =	sld [smem:$0x3FFC];
	_ =	sdelay $0x3  }
0x96: {  	_ =	strace s5  }
0x97: {  	s5 =	sld [smem:$0x3FFD];
	_ =	sdelay $0x3  }
0x98: {  	_ =	strace s5  }
0x99: {  	_ =	strace $0x8FFFFFFF  }
0x9a: {  	s20 =	sld [smem:$0x3FDB];
	_ =	sdelay $0x1  }
0x9b: {  	s6 =	simm.s32 $_scs_section_size  }
0x9c: {  	s7 =	simm.s32 $_size__tile_overlayer_lowered;
	s8 =	simm.s32 $_tile_overlayer_lowered  }
0x9d: {  	s23 =	simm.s32 $0x1BFF;
	s22 =	sshll.u32 s8, $0x1;
	s5 =	sadd.s32 s6, s20  }
0x9e: {  	s9 =	simm.s32 $0x0;
	s21 =	sshll.u32 s7, $0x1;
	s7 =	sadd.s32 s22, s5  }
0x9f: {  	[timem:s9], [sflag:s23] =	dma.local [hbm:s7], s21  }
0xa0: {  	_ =	swait.ge [sflag:s23], s21  }
0xa1: {  	s6 =	ssub.s32 $0x0, s21;
	[sflag:s23] =	ssyncset.done $0x0  }
0xa2: {  	[sflag:s23] =	ssyncadd.s32 s6;
	_ =	sdelay $0x1  }
0xa3: {  	s24 =	simm.s32 $0x1B8B  }
0xa4: {  	_ =	swait.ge [sflag:s24], $0x1  }
0xa5: {  	[sflag:s24] =	ssyncset.done $0x0  }
0xa6: {  	s25 =	simm.s32 $0x1B8E;
	[sflag:s24] =	ssyncadd.s32 $0xFFFFFFFF  }
0xa7: {  	s26 =	simm.s32 $execute0_lowered;
	[smem:$0x3FD2] =	sst s25  }
0xa8: {  	s6 =	sshll.u32 s26, $0x1;
	_ =	strace $0x80000046;
	[dreg:$0x1] =	wrdreg $0xFFFFFFFF  }
0xa9: {  	s28 =	simm.s32 $_size_execute0_lowered;
	s5 =	sadd.s32 s5, s6;
	[dreg:$0x0] =	wrdreg $0x0  }
0xaa: {  	s6 =	sshll.u32 s28, $0x1;
	[dreg:$0x2] =	wrdreg s5  }
0xab: {  	[dreg:$0x3] =	wrdreg s6  }
0xac: {  	[dreg:$0x4] =	wrdreg $0xC0  }
0xad: {  	_ =	task [dreg:s9], $0x5FFFF  }
0xae: {  	[dreg:$0x1] =	wrdreg $0xFFFFFFFF  }
0xaf: {  	[dreg:$0x0] =	wrdreg $0x60  }
0xb0: {  	[dreg:$0x2] =	wrdreg s19  }
0xb1: {  	[dreg:$0x3] =	wrdreg s2  }
0xb2: {  	[dreg:$0x4] =	wrdreg s4  }
0xb3: {  	[dreg:$0x5] =	wrdreg $0x9  }
0xb4: {  	_ =	task.clear_ibuf [dreg:s9], $0x6FFFF;
	_ =	strace $0x90000046  }
0xb5: {  	s29 =	simm.s32 $0x9;
	_ =	strace $0x80000048  }
0xb6: {  	_ =	swait.ge [sflag:s29], $0x1  }
0xb7: {  	[sflag:s29] =	ssyncadd.s32 $0xFFFFFFFF  }
0xb8: {  	_ =	strace $0x90000048  }
0xb9: {  	_ =	sfence  }
0xba: {  	s30 =	sld [smem:$0x0];
	_ =	sdelay $0x2  }
0xbb: {  	s31 =	sshll.u32 s1, $0xD;
	s1 =	sshrl.u32 s1, $0x2  }
0xbc: {  	s3 =	sand.u32 $0x4000, s31;
	s1 =	sadd.s32 s1, s30  }
0xbd: {  	s0 =	sor.u32 s3, s0;
	s1 =	sshll.u32 s1, $0x11  }
0xbe: {  	s0 =	sor.u32 s1, s0  }
0xbf: {  	s0 =	sadd.s32 $0x8F2B, s0  }
0xc0: {  	[sflag:s0] =	ssyncadd.remote.s32 $0x1  }
0xc1: {  	_ =	sfence.sel $0xFFFF  }
0xc2: {  	[dreg:$0x0] =	wrdreg $0xFFFFFFFF;
	(pc) =	sbr.abs _section_cstart, $3  }
0xc3: {  	[dreg:$0x1] =	wrdreg $0xFFFFFFFF  }
0xc4: {  	_ =	task.clear_ibuf [dreg:s9], $0x2FFFF;
	_ =	strace $0x9FFFFFFF  }
0xc5: {  	(tm) =	ssettm $0x7FFFFFFF  }
tec
execute0_lowered:
.L_overlay_start_1:
0x0: {  	(tag) =	ssettag $0x1  }
0x1: {  	s5 =	rddreg [dreg:$0x0]  }
0x2: {  	s1 =	rddreg [dreg:$0x1]  }
0x3: {  	s7 =	rddreg [dreg:$0x2]  }
0x4: {  	s0 =	rddreg [dreg:$0x3]  }
0x5: {  	s3 =	simm.s32 $0x0;
	s4 =	srdreg.scid;
	s2 =	stileid.u32  }
0x6: {  	s12 =	simm.s32 $0x3;
	s13 =	simm.s32 $0x1;
	s14 =	simm.s32 $0x19700  }
0x7: {  	s15 =	simm.s32 $0x2;
	s16 =	simm.s32 $0x1A700;
	s17 =	simm.s32 $0x0  }
0x8: {  	s4 =	sand.u32 $0x1, s4;
	s6 =	sshll.u32 s2, $0x9;
	s8 =	sshrl.u32 s2, $0x1  }
0x9: {  	[smem:$0x7FF] =	sst s3;
	s9 =	sshll.u32 s4, $0x8;
	s6 =	sand.u32 $0x200, s6  }
0xa: {  	s10 =	smul.u32 $0xC3800, s8;
	s4 =	ssub.s32 $0x2, s4;
	_ =	strace $0x80000047  }
0xb: {  	s8 =	sshll.u32 s8, $0xF;
	s6 =	sor.u32 s9, s6;
	s29 =	sshrl.u32 s4, $0x1  }
0xc: {  	s11 =	sor.u32 s10, s6;
	s9 =	ssub.s32 s4, s29;
	s31 =	sor.u32 $0x80, s6  }
0xd: {  	s6 =	sor.u32 s8, s6;
	s30 =	sshrl.u32 s11, $0x3;
	s10 =	sor.u32 s10, s31  }
0xe: {  	s8 =	sor.u32 s8, s31;
	s6 =	sshrl.u32 s6, $0x3;
	s11 =	simm.s32 $0x1000  }
0xf: {  	s4 =	sadd.s32 s5, s30;
	s10 =	sshrl.u32 s10, $0x3;
	s8 =	sshrl.u32 s8, $0x3  }
0x10: {  	s6 =	sadd.s32 s7, s6;
	s5 =	sadd.s32 s5, s10;
	s7 =	sadd.s32 s7, s8  }
0x11: {  	s8 =	smax.u32 s9, $0x1;
	s9 =	simm.s32 $0x80;
	s10 =	simm.s32 $0x400  }
.LBB2_1:
0x12: {  	[tilespmem:s11], [sflag:$0x1] =	stream.strided.gather [hbm4b:s4+s9], $0x18700, s10, s9, $0x38;
	[tilespmem:$0x1B700] =	vst v63  }
0x13: {  	_ = 	snop  }
0x14: {  	[tilespmem:s3], [sflag:$0x3] =	stream.linear.gather [hbm4b:s1+s3], $0x1000, $0x38;
	[tilespmem:$0x1B700] =	vst v63  }
0x15: {  	_ =	swait.ge [sflag:s12], $0x1000  }
0x16: {  	[sflag:s12] =	ssyncset.done $0x0  }
0x17: {  	[sflag:s12] =	ssyncadd.s32 $0xFFFFF000  }
0x18: {  	_ =	swait.ge [sflag:s13], $0x18700  }
0x19: {  	[sflag:s13] =	ssyncset.done $0x0  }
0x1a: {  	s18 =	simm.s32 $0x0;
	[sflag:s13] =	ssyncadd.s32 $0xFFFE7900  }
0x1b: {  	v0 =	vld [tilespmem:s18+$0x0];
	_ =	sdelay $0x5  }
0x1c: {  	v1 =	vld [tilespmem:s18+$0x10];
	_ =	sdelay $0x1  }
0x1d: {  	v0 =	vld.idx.msk [tilespmem:v0+s11+$0x0], $0xffff;
	_ =	sdelay $0x4  }
0x1e: {  	v2 =	vld [tilespmem:s18+$0x20];
	[tilespmem:s18+$0x19700] =	vst v0  }
0x1f: {  	v0 =	vld.idx.msk [tilespmem:v1+s11+$0x0], $0xffff;
	_ =	sdelay $0x4  }
0x20: {  	[tilespmem:s18+$0x19710] =	vst v0;
	v0 =	vld [tilespmem:s18+$0x30];
	_ =	sdelay $0x1  }
0x21: {  	v1 =	vld.idx.msk [tilespmem:v2+s11+$0x0], $0xffff;
	_ =	sdelay $0x3  }
0x22: {  	s20 =	simm.s32 $0x40;
	s19 =	simm.s32 $0x200  }
.LBB2_2:
0x23: {  	p0 =	sne.s32 s19, $0x3F00;
	v2 =	vld [tilespmem:s20+$0x0];
	[tilespmem:s18+$0x19720] =	vst v1  }
0x24: {  	v0 =	vld.idx.msk [tilespmem:v0+s11+$0x0], $0xffff;
	_ =	sdelay $0x5  }
0x25: {  	v1 =	vld [tilespmem:s20+$0x10];
	[tilespmem:s18+$0x19730] =	vst v0;
	s18 =	smov.u32 s20  }
0x26: {  	v0 =	vld.idx.msk [tilespmem:v2+s11+$0x0], $0xffff;
	_ =	sdelay $0x5  }
0x27: {  	[tilespmem:s18+$0x19700] =	vst v0;
	v2 =	vld [tilespmem:s18+$0x20]  }
0x28: {  	v0 =	vld.idx.msk [tilespmem:v1+s11+$0x0], $0xffff;
	_ =	sdelay $0x5  }
0x29: {  	[tilespmem:s18+$0x19710] =	vst v0;
	v0 =	vld [tilespmem:s18+$0x30]  }
0x2a: {  	v1 =	vld.idx.msk [tilespmem:v2+s11+$0x0], $0xffff  }
.Ltmp0:
0x2b: {  	(pc) =	sbr.rel @p0 .LBB2_2-.Ltmp0, $2  }
0x2c: {  	_ =	sdelay $0x2  }
0x2d: {  	s20 =	sshra.s32 s19, $0x2;
	s19 =	sadd.s32 $0x100, s19  }
0x2e: {  	_ =	sdelay $0x1  }
0x2f: {  	v2 =	vld [tilespmem:s20+$0x0]  }
0x30: {  	[tilespmem:s18+$0x19720] =	vst v1  }
0x31: {  	v0 =	vld.idx.msk [tilespmem:v0+s11+$0x0], $0xffff;
	_ =	sdelay $0x3  }
0x32: {  	v1 =	vld [tilespmem:s20+$0x10]  }
0x33: {  	[tilespmem:s18+$0x19730] =	vst v0  }
0x34: {  	v0 =	vld.idx.msk [tilespmem:v2+s11+$0x0], $0xffff;
	_ =	sdelay $0x4  }
0x35: {  	[tilespmem:s20+$0x19700] =	vst v0;
	v0 =	vld [tilespmem:s20+$0x20]  }
0x36: {  	v1 =	vld.idx.msk [tilespmem:v1+s11+$0x0], $0xffff;
	_ =	sdelay $0x4  }
0x37: {  	[tilespmem:s20+$0x19710] =	vst v1;
	v1 =	vld [tilespmem:s20+$0x30];
	_ =	sdelay $0x1  }
0x38: {  	v0 =	vld.idx.msk [tilespmem:v0+s11+$0x0], $0xffff;
	_ =	sdelay $0x4  }
0x39: {  	[tilespmem:s20+$0x19720] =	vst v0  }
0x3a: {  	v0 =	vld.idx.msk [tilespmem:v1+s11+$0x0], $0xffff;
	_ =	sdelay $0x4  }
0x3b: {  	[tilespmem:s20+$0x19730] =	vst v0  }
0x3c: {  	[tilespmem:s11], [sflag:$0x1] =	stream.strided.gather [hbm4b:s5+s9], $0x18700, s10, s9, $0x38;
	[tilespmem:$0x1B700] =	vst v63  }
0x3d: {  	_ = 	snop  }
0x3e: {  	[hbm4b:s6+s9] =	stream.strided.scatter [tilespmem:s14], [sflag:$0x2], $0x1000, s10, s9, $0x38;
	[tilespmem:$0x1B700] =	vst v63  }
0x3f: {  	_ =	swait.ge [sflag:s13], $0x18700  }
0x40: {  	[sflag:s13] =	ssyncset.done $0x0  }
0x41: {  	s18 =	simm.s32 $0x0;
	[sflag:s13] =	ssyncadd.s32 $0xFFFE7900  }
0x42: {  	v0 =	vld [tilespmem:s18+$0x0];
	_ =	sdelay $0x5  }
0x43: {  	v1 =	vld [tilespmem:s18+$0x10];
	_ =	sdelay $0x1  }
0x44: {  	v0 =	vld.idx.msk [tilespmem:v0+s11+$0x0], $0xffff;
	_ =	sdelay $0x4  }
0x45: {  	v2 =	vld [tilespmem:s18+$0x20];
	[tilespmem:s18+$0x1A700] =	vst v0  }
0x46: {  	v0 =	vld.idx.msk [tilespmem:v1+s11+$0x0], $0xffff;
	_ =	sdelay $0x4  }
0x47: {  	[tilespmem:s18+$0x1A710] =	vst v0;
	v0 =	vld [tilespmem:s18+$0x30];
	_ =	sdelay $0x1  }
0x48: {  	v1 =	vld.idx.msk [tilespmem:v2+s11+$0x0], $0xffff;
	_ =	sdelay $0x3  }
0x49: {  	s19 =	simm.s32 $0x200;
	s20 =	simm.s32 $0x40  }
.LBB2_4:
0x4a: {  	p0 =	sne.s32 s19, $0x3F00;
	v2 =	vld [tilespmem:s20+$0x0];
	[tilespmem:s18+$0x1A720] =	vst v1  }
0x4b: {  	v0 =	vld.idx.msk [tilespmem:v0+s11+$0x0], $0xffff;
	_ =	sdelay $0x5  }
0x4c: {  	v1 =	vld [tilespmem:s20+$0x10];
	[tilespmem:s18+$0x1A730] =	vst v0;
	s18 =	smov.u32 s20  }
0x4d: {  	v0 =	vld.idx.msk [tilespmem:v2+s11+$0x0], $0xffff;
	_ =	sdelay $0x5  }
0x4e: {  	[tilespmem:s18+$0x1A700] =	vst v0;
	v2 =	vld [tilespmem:s18+$0x20]  }
0x4f: {  	v0 =	vld.idx.msk [tilespmem:v1+s11+$0x0], $0xffff;
	_ =	sdelay $0x5  }
0x50: {  	[tilespmem:s18+$0x1A710] =	vst v0;
	v0 =	vld [tilespmem:s18+$0x30]  }
0x51: {  	v1 =	vld.idx.msk [tilespmem:v2+s11+$0x0], $0xffff  }
.Ltmp1:
0x52: {  	(pc) =	sbr.rel @p0 .LBB2_4-.Ltmp1, $2  }
0x53: {  	_ =	sdelay $0x2  }
0x54: {  	s20 =	sshra.s32 s19, $0x2;
	s19 =	sadd.s32 $0x100, s19  }
0x55: {  	_ =	sdelay $0x1  }
0x56: {  	v2 =	vld [tilespmem:s20+$0x0]  }
0x57: {  	[tilespmem:s18+$0x1A720] =	vst v1  }
0x58: {  	v0 =	vld.idx.msk [tilespmem:v0+s11+$0x0], $0xffff;
	_ =	sdelay $0x3  }
0x59: {  	v1 =	vld [tilespmem:s20+$0x10]  }
0x5a: {  	[tilespmem:s18+$0x1A730] =	vst v0  }
0x5b: {  	v0 =	vld.idx.msk [tilespmem:v2+s11+$0x0], $0xffff;
	_ =	sdelay $0x3  }
0x5c: {  	v62 =	vld [tilespmem:s20+$0x20]  }
0x5d: {  	[tilespmem:s20+$0x1A700] =	vst v0  }
0x5e: {  	v1 =	vld.idx.msk [tilespmem:v1+s11+$0x0], $0xffff;
	_ =	sdelay $0x3  }
0x5f: {  	v63 =	vld [tilespmem:s20+$0x30]  }
0x60: {  	[tilespmem:s20+$0x1A710] =	vst v1  }
0x61: {  	v0 =	vld.idx.msk [tilespmem:v62+s11+$0x0], $0xffff;
	_ =	sdelay $0x4  }
0x62: {  	[tilespmem:s20+$0x1A720] =	vst v0  }
0x63: {  	v0 =	vld.idx.msk [tilespmem:v63+s11+$0x0], $0xffff;
	_ =	sdelay $0x4  }
0x64: {  	[tilespmem:s20+$0x1A730] =	vst v0  }
0x65: {  	s17 =	sadd.s32 $0x1, s17;
	_ =	swait.ge [sflag:s15], $0x1000  }
0x66: {  	p0 =	sne.s32 s17, s8;
	[sflag:s15] =	ssyncset.done $0x0  }
.Ltmp2:
0x67: {  	[sflag:s15] =	ssyncadd.s32 $0xFFFFF000;
	(pc) =	sbr.rel @p0 .LBB2_1-.Ltmp2, $4  }
0x68: {  	[hbm4b:s7+s9] =	stream.strided.scatter [tilespmem:s16], [sflag:$0x3], $0x1000, s10, s9, $0x38;
	[tilespmem:$0x1B700] =	vst v63  }
0x69: {  	_ =	swait.ge [sflag:s12], $0x1000  }
0x6a: {  	[sflag:s12] =	ssyncset.done $0x0  }
0x6b: {  	[sflag:s12] =	ssyncadd.s32 $0xFFFFF000  }
0x6c: {  	_ =	sfence.sel $0x180000  }
0x6d: {  	[bflag:$0x0] =	sbarrier.arrive $0xFFFF  }
0x6e: {  	p0 =	sne.s32 s2, $0x0;
	_ =	strace $0x90000047  }
0x6f: {  	s0 =	sadd.s32 @!p0 $0x100000, s0;
	[bflag:$0x2] =	sbarrier.arrive $0xFFFF  }
0x70: {  	[sflag:s0] =	ssyncadd.tile.s32 @!p0 $0x1;
	_ =	shalt  }
.Lfunc_end2:
_tile_overlayer_lowered:
.L_overlay_start_2:
0x71: {  	(tag) =	ssettag $0x2  }
0x72: {  	s0 =	rddreg [dreg:$0x0];
	s2 =	stileid.u32  }
0x73: {  	s1 =	rddreg [dreg:$0x1];
	p0 =	sne.s32 s2, $0x0  }
0x74: {  	s3 =	rddreg [dreg:$0x2];
	[bflag:$0x3] =	sbarrier.arrive $0xFFFF;
	s2 =	simm.s32 @!p0 $0x1C03  }
0x75: {  	[timem:s3], [sflag:s2] =	dma.local @!p0 [hbm:s0], s1  }
0x76: {  	s0 =	simm.s32 @!p0 $0x3  }
0x77: {  	_ =	swait.ge @!p0 [sflag:s0], s1  }
0x78: {  	s1 =	ssub.s32 @!p0 $0x0, s1;
	[sflag:s0] =	ssyncset.done @!p0 $0x0  }
0x79: {  	[sflag:s0] =	ssyncadd.s32 @!p0 s1  }
0x7a: {  	[bflag:$0x3] =	sbarrier.arrive $0xFFFF  }
0x7b: {  	_ =	shalt  }

</sc_bundles>
